<compile_context>
chip_gen: v7x
topology: tpu7x:2x2x1
jax: 0.10.2.dev20260603
libtpu: 0.0.44.dev20260713+nightly
codegen_flags: <defaults>
</compile_context>

<pallas_src>
import functools

import jax
import jax.numpy as jnp
from jax import lax
from jax.experimental import pallas as pl
from jax.experimental.pallas import tpu as pltpu
from jax.experimental.pallas import tpu_sc as plsc

MAX_Z = 100
EMB = 192
N_ATOMS = 100000

N_TR = N_ATOMS // 8
N_VR = 16 * N_TR

NC = 2
NS = 16
NW = NC * NS
TR_W = 392
VPW = 16 * TR_W
VCHUNK = 112
NCHUNK = VPW // VCHUNK
NPAIR = NCHUNK // 2
LAST_TR = N_TR - (NW - 1) * TR_W
LAST_VR = 16 * LAST_TR
LAST_FULL = LAST_VR // VCHUNK
LAST_PAIR = (LAST_FULL - 1) // 2
LAST_TAIL = LAST_VR - LAST_FULL * VCHUNK
IDX_PAD = NW * VPW


def _body(idx_hbm, table_hbm, out_hbm, idx_v, rows_a, rows_b,
          sem_a, sem_b, wsem_a, wsem_b):
    wid = lax.axis_index("s") * NC + lax.axis_index("c")
    base = wid * VPW
    is_last = wid == NW - 1

    pltpu.sync_copy(idx_hbm.at[pl.ds(base, VPW)], idx_v)

    def gather(c, buf, sem):
        return pltpu.make_async_copy(
            table_hbm.at[idx_v.at[pl.ds(c * VCHUNK, VCHUNK)]], buf, sem
        )

    def awrite(c, buf, sem):
        return pltpu.make_async_copy(
            buf, out_hbm.at[pl.ds(base + c * VCHUNK, VCHUNK)], sem
        )

    def write(c, buf):
        pltpu.sync_copy(buf, out_hbm.at[pl.ds(base + c * VCHUNK, VCHUNK)])

    npair = jnp.where(is_last, LAST_PAIR, NPAIR)
    gather(0, rows_a, sem_a).start()
    gather(1, rows_b, sem_b).start()

    def pair_body(p, carry):
        c0 = 2 * p
        gather(c0, rows_a, sem_a).wait()
        awrite(c0, rows_a, wsem_a).start()
        gather(c0 + 1, rows_b, sem_b).wait()
        awrite(c0 + 1, rows_b, wsem_b).start()

        awrite(c0, rows_a, wsem_a).wait()

        @pl.when(p < npair - 1)
        def _next_a():
            gather(c0 + 2, rows_a, sem_a).start()

        awrite(c0 + 1, rows_b, wsem_b).wait()

        @pl.when(p < npair - 1)
        def _next_b():
            gather(c0 + 3, rows_b, sem_b).start()

        return carry

    lax.fori_loop(0, npair, pair_body, 0)

    @pl.when(is_last)
    def _tail():
        c = LAST_FULL - 1
        h = gather(c, rows_a, sem_a)
        h.start()
        h.wait()
        write(c, rows_a)
        ht = pltpu.make_async_copy(
            table_hbm.at[idx_v.at[pl.ds(LAST_FULL * VCHUNK, LAST_TAIL)]],
            rows_b.at[pl.ds(0, LAST_TAIL)],
            sem_b,
        )
        ht.start()
        ht.wait()
        pltpu.sync_copy(
            rows_b.at[pl.ds(0, LAST_TAIL)],
            out_hbm.at[pl.ds(base + LAST_FULL * VCHUNK, LAST_TAIL)],
        )


def _conv_body(in_ref, out_ref):
    x = in_ref[...]
    xr = x.reshape(100, 16, 128)
    out_ref[:, 0:128] = xr[:, 0:8, :].reshape(800, 128)
    out_ref[:, 128:192] = xr[:, 8:16, :].reshape(800, 128)[:, 0:64]


_conv = pl.pallas_call(
    _conv_body,
    grid=(125,),
    in_specs=[pl.BlockSpec((1600, 128), lambda i: (i, 0))],
    out_specs=pl.BlockSpec((800, 192), lambda i: (i, 0)),
    out_shape=jax.ShapeDtypeStruct((N_ATOMS, EMB), jnp.float32),
)


@jax.jit
def kernel(z, emb_table):
    z32 = z.astype(jnp.int32)
    tableT = (
        jnp.zeros((208, 128), jnp.float32)
        .at[0:101].set(emb_table[:, 0:128])
        .at[101:202, 0:64].set(emb_table[:, 128:192])
    )
    zr = z32.reshape(N_TR, 1, 8)
    idxT = jnp.concatenate([zr, zr + 101], axis=1).reshape(-1)
    idxTp = jnp.pad(idxT, (0, IDX_PAD - N_VR))

    mesh = plsc.VectorSubcoreMesh(core_axis_name="c", subcore_axis_name="s")
    run = functools.partial(
        pl.kernel,
        mesh=mesh,
        out_type=jax.ShapeDtypeStruct((N_VR, 128), jnp.float32),
        scratch_types=[
            pltpu.VMEM((VPW,), jnp.int32),
            pltpu.VMEM((VCHUNK, 128), jnp.float32),
            pltpu.VMEM((VCHUNK, 128), jnp.float32),
            pltpu.SemaphoreType.DMA,
            pltpu.SemaphoreType.DMA,
            pltpu.SemaphoreType.DMA,
            pltpu.SemaphoreType.DMA,
        ],
        compiler_params=pltpu.CompilerParams(use_tc_tiling_on_sc=False),
    )(_body)
    return _conv(run(idxTp, tableT))

# --- scband reference (transcript-rebuilt; emitter-appended) ---
"""Pipeline reference for scband-atom-embedding-19679540150752 (READ-ONLY COPY).

The authoritative reference and input builder live on the scoring server;
editing this copy changes nothing except your own understanding.
"""

import jax, jax.numpy as jnp
import numpy as np

MAX_Z = 100
EMB_DIM = 192
N_ATOMS = 100000

def setup_inputs(seed: int = 0) -> dict:
    key = jax.random.key(seed)
    k1, k2 = jax.random.split(key)
    z = jax.random.randint(k1, (N_ATOMS,), 0, 101, dtype=jnp.int64 if jax.config.jax_enable_x64 else jnp.int32)
    emb_table = jax.random.normal(k2, (MAX_Z + 1, EMB_DIM), dtype=jnp.float32)
    return {"z": z, "emb_table": emb_table}

def reference(z, emb_table):
    num_embeddings = emb_table.shape[0]
    z_clamped = jnp.clip(z, 0, num_embeddings - 1)
    return jnp.take(emb_table, z_clamped, axis=0)

if __name__ == "__main__":
    import jax
    _d = setup_inputs()
    print(jax.jit(kernel)(*tuple(_d.values())))

</pallas_src>

<mosaic_0001>
#map = affine_map<(d0, d1) -> (0)>
#map1 = affine_map<(d0, d1) -> (0, 0)>
module attributes {stable_mosaic.version = 14 : i64} {
  func.func @_body(%arg0: i32, %arg1: i32, %arg2: memref<200704xi32, #tpu.memory_space<hbm>>, %arg3: memref<208x128xf32, #tpu.memory_space<hbm>>, %arg4: memref<200000x128xf32, #tpu.memory_space<hbm>>, %arg5: memref<6272xi32, #tpu.memory_space<vmem>>, %arg6: memref<112x128xf32, #tpu.memory_space<vmem>>, %arg7: memref<112x128xf32, #tpu.memory_space<vmem>>, %arg8: memref<!tpu.dma_semaphore, #tpu.memory_space<semaphore_mem>>, %arg9: memref<!tpu.dma_semaphore, #tpu.memory_space<semaphore_mem>>, %arg10: memref<!tpu.dma_semaphore, #tpu.memory_space<semaphore_mem>>, %arg11: memref<!tpu.dma_semaphore, #tpu.memory_space<semaphore_mem>>) attributes {dimension_semantics = [#tpu.dimension_semantics<core_parallel>, #tpu.dimension_semantics<subcore_parallel>], iteration_bounds = array<i64: 2, 16>, scalar_prefetch = 0 : i64, scratch_operands = 7 : i64, tpu.core_type = #tpu.core_type<sc_vector_subcore>, window_params = [{transform_indices = #map}, {transform_indices = #map1}, {transform_indices = #map1}]} {
    %mul3A = arith.constant 2 : i32
    %mul3A_0 = arith.muli %arg1, %mul3A : i32
    %add3A = arith.addi %mul3A_0, %arg0 : i32
    %mul3A_1 = arith.constant 6272 : i32
    %mul3A_2 = arith.muli %add3A, %mul3A_1 : i32
    %eq3A = arith.constant 31 : i32
    %eq3A_3 = arith.cmpi eq, %add3A, %eq3A : i32
    "tpu.region"() ({
      %run_scoped3A = tpu.sem_alloc : memref<!tpu.dma_semaphore, #tpu.memory_space<semaphore_mem>>
      %dma_start3A_24 = tpu.memref_slice %arg2[%mul3A_2] : memref<200704xi32, #tpu.memory_space<hbm>> -> memref<6272xi32, #tpu.memory_space<hbm>>
      %dma_start3A_25 = tpu.memref_slice %arg2[%mul3A_2] : memref<200704xi32, #tpu.memory_space<hbm>> -> memref<6272xi32, #tpu.memory_space<hbm>>
      tpu.enqueue_dma source(%dma_start3A_25 : memref<6272xi32, #tpu.memory_space<hbm>>) target(%arg5 : memref<6272xi32, #tpu.memory_space<vmem>>) target_semaphore(%run_scoped3A : memref<!tpu.dma_semaphore, #tpu.memory_space<semaphore_mem>>)
      %dma_wait3A = tpu.memref_slice %arg2[%mul3A_2] : memref<200704xi32, #tpu.memory_space<hbm>> -> memref<6272xi32, #tpu.memory_space<hbm>>
      %dma_wait3A_26 = tpu.memref_slice %arg2[%mul3A_2] : memref<200704xi32, #tpu.memory_space<hbm>> -> memref<6272xi32, #tpu.memory_space<hbm>>
      tpu.wait_dma2 semaphore(%run_scoped3A : memref<!tpu.dma_semaphore, #tpu.memory_space<semaphore_mem>>) src(%dma_wait3A_26 : memref<6272xi32, #tpu.memory_space<hbm>>) dst(%arg5 : memref<6272xi32, #tpu.memory_space<vmem>>)
      tpu.yield
    }) : () -> ()
    %jit3A = arith.constant 24 : i32
    %jit3A_4 = arith.constant 28 : i32
    %select_n3A = arith.select %eq3A_3, %jit3A, %jit3A_4 : i32
    %dma_start3A = arith.constant 0 : i32
    %dma_start3A_5 = tpu.memref_slice %arg5[%dma_start3A] : memref<6272xi32, #tpu.memory_space<vmem>> -> memref<112xi32, #tpu.memory_space<vmem>>
    %dma_start3A_6 = arith.constant 0 : i32
    %dma_start3A_7 = arith.constant 0 : i32
    %dma_start3A_8 = tpu.memref_slice %arg3[%dma_start3A_6, %dma_start3A_7] : memref<208x128xf32, #tpu.memory_space<hbm>> -> memref<208x128xf32, #tpu.memory_space<hbm>>
    tpu.enqueue_indirect_dma source(%dma_start3A_8 : memref<208x128xf32, #tpu.memory_space<hbm>>) target(%arg6 : memref<112x128xf32, #tpu.memory_space<vmem>>) offsets(%dma_start3A_5 : memref<112xi32, #tpu.memory_space<vmem>>) semaphore(%arg8 : memref<!tpu.dma_semaphore, #tpu.memory_space<semaphore_mem>>)
    %dma_start3A_9 = arith.constant 112 : i32
    %dma_start3A_10 = tpu.memref_slice %arg5[%dma_start3A_9] : memref<6272xi32, #tpu.memory_space<vmem>> -> memref<112xi32, #tpu.memory_space<vmem>>
    %dma_start3A_11 = arith.constant 0 : i32
    %dma_start3A_12 = arith.constant 0 : i32
    %dma_start3A_13 = tpu.memref_slice %arg3[%dma_start3A_11, %dma_start3A_12] : memref<208x128xf32, #tpu.memory_space<hbm>> -> memref<208x128xf32, #tpu.memory_space<hbm>>
    tpu.enqueue_indirect_dma source(%dma_start3A_13 : memref<208x128xf32, #tpu.memory_space<hbm>>) target(%arg7 : memref<112x128xf32, #tpu.memory_space<vmem>>) offsets(%dma_start3A_10 : memref<112xi32, #tpu.memory_space<vmem>>) semaphore(%arg9 : memref<!tpu.dma_semaphore, #tpu.memory_space<semaphore_mem>>)
    %while3A = arith.constant 0 : i32
    %while3A_14 = arith.constant 0 : i32
    %while3A_15 = arith.subi %select_n3A, %while3A_14 : i32
    %while3A_16 = arith.addi %while3A_14, %while3A_15 : i32
    %while3A_17 = arith.constant 1 : i32
    %while3A_18 = arith.divsi %while3A_15, %while3A_17 : i32
    %while3A_19 = arith.muli %while3A_18, %while3A_17 : i32
    %while3A_20 = arith.addi %while3A_14, %while3A_19 : i32
    %while3A_21 = arith.constant 1 : i32
    scf.for %while3A_24 = %while3A_14 to %while3A_20 step %while3A_21  : i32 {
      %mul3A_25 = arith.constant 2 : i32
      %mul3A_26 = arith.muli %mul3A_25, %while3A_24 : i32
      %mul3A_27 = arith.constant 112 : i32
      %mul3A_28 = arith.muli %mul3A_26, %mul3A_27 : i32
      %dma_wait3A = tpu.memref_slice %arg5[%mul3A_28] : memref<6272xi32, #tpu.memory_space<vmem>> -> memref<112xi32, #tpu.memory_space<vmem>>
      %dma_wait3A_29 = arith.constant 0 : i32
      %dma_wait3A_30 = arith.constant 0 : i32
      %dma_wait3A_31 = tpu.memref_slice %arg3[%dma_wait3A_29, %dma_wait3A_30] : memref<208x128xf32, #tpu.memory_space<hbm>> -> memref<208x128xf32, #tpu.memory_space<hbm>>
      tpu.wait_indirect_dma semaphore(%arg8 : memref<!tpu.dma_semaphore, #tpu.memory_space<semaphore_mem>>) src(%dma_wait3A_31 : memref<208x128xf32, #tpu.memory_space<hbm>>) dst(%arg6 : memref<112x128xf32, #tpu.memory_space<vmem>>)
      %mul3A_32 = arith.constant 112 : i32
      %mul3A_33 = arith.muli %mul3A_26, %mul3A_32 : i32
      %add3A_34 = arith.addi %mul3A_2, %mul3A_33 : i32
      %dma_start3A_35 = arith.constant 0 : i32
      %dma_start3A_36 = tpu.memref_slice %arg4[%add3A_34, %dma_start3A_35] : memref<200000x128xf32, #tpu.memory_space<hbm>> -> memref<112x128xf32, #tpu.memory_space<hbm>>
      %dma_start3A_37 = arith.constant 0 : i32
      %dma_start3A_38 = tpu.memref_slice %arg4[%add3A_34, %dma_start3A_37] : memref<200000x128xf32, #tpu.memory_space<hbm>> -> memref<112x128xf32, #tpu.memory_space<hbm>>
      tpu.enqueue_dma source(%arg6 : memref<112x128xf32, #tpu.memory_space<vmem>>) target(%dma_start3A_38 : memref<112x128xf32, #tpu.memory_space<hbm>>) target_semaphore(%arg10 : memref<!tpu.dma_semaphore, #tpu.memory_space<semaphore_mem>>)
      %add3A_39 = arith.constant 1 : i32
      %add3A_40 = arith.addi %mul3A_26, %add3A_39 : i32
      %mul3A_41 = arith.constant 112 : i32
      %mul3A_42 = arith.muli %add3A_40, %mul3A_41 : i32
      %dma_wait3A_43 = tpu.memref_slice %arg5[%mul3A_42] : memref<6272xi32, #tpu.memory_space<vmem>> -> memref<112xi32, #tpu.memory_space<vmem>>
      %dma_wait3A_44 = arith.constant 0 : i32
      %dma_wait3A_45 = arith.constant 0 : i32
      %dma_wait3A_46 = tpu.memref_slice %arg3[%dma_wait3A_44, %dma_wait3A_45] : memref<208x128xf32, #tpu.memory_space<hbm>> -> memref<208x128xf32, #tpu.memory_space<hbm>>
      tpu.wait_indirect_dma semaphore(%arg9 : memref<!tpu.dma_semaphore, #tpu.memory_space<semaphore_mem>>) src(%dma_wait3A_46 : memref<208x128xf32, #tpu.memory_space<hbm>>) dst(%arg7 : memref<112x128xf32, #tpu.memory_space<vmem>>)
      %add3A_47 = arith.constant 1 : i32
      %add3A_48 = arith.addi %mul3A_26, %add3A_47 : i32
      %mul3A_49 = arith.constant 112 : i32
      %mul3A_50 = arith.muli %add3A_48, %mul3A_49 : i32
      %add3A_51 = arith.addi %mul3A_2, %mul3A_50 : i32
      %dma_start3A_52 = arith.constant 0 : i32
      %dma_start3A_53 = tpu.memref_slice %arg4[%add3A_51, %dma_start3A_52] : memref<200000x128xf32, #tpu.memory_space<hbm>> -> memref<112x128xf32, #tpu.memory_space<hbm>>
      %dma_start3A_54 = arith.constant 0 : i32
      %dma_start3A_55 = tpu.memref_slice %arg4[%add3A_51, %dma_start3A_54] : memref<200000x128xf32, #tpu.memory_space<hbm>> -> memref<112x128xf32, #tpu.memory_space<hbm>>
      tpu.enqueue_dma source(%arg7 : memref<112x128xf32, #tpu.memory_space<vmem>>) target(%dma_start3A_55 : memref<112x128xf32, #tpu.memory_space<hbm>>) target_semaphore(%arg11 : memref<!tpu.dma_semaphore, #tpu.memory_space<semaphore_mem>>)
      %mul3A_56 = arith.constant 112 : i32
      %mul3A_57 = arith.muli %mul3A_26, %mul3A_56 : i32
      %add3A_58 = arith.addi %mul3A_2, %mul3A_57 : i32
      %dma_wait3A_59 = arith.constant 0 : i32
      %dma_wait3A_60 = tpu.memref_slice %arg4[%add3A_58, %dma_wait3A_59] : memref<200000x128xf32, #tpu.memory_space<hbm>> -> memref<112x128xf32, #tpu.memory_space<hbm>>
      %dma_wait3A_61 = arith.constant 0 : i32
      %dma_wait3A_62 = tpu.memref_slice %arg4[%add3A_58, %dma_wait3A_61] : memref<200000x128xf32, #tpu.memory_space<hbm>> -> memref<112x128xf32, #tpu.memory_space<hbm>>
      tpu.wait_dma2 semaphore(%arg10 : memref<!tpu.dma_semaphore, #tpu.memory_space<semaphore_mem>>) src(%arg6 : memref<112x128xf32, #tpu.memory_space<vmem>>) dst(%dma_wait3A_62 : memref<112x128xf32, #tpu.memory_space<hbm>>)
      %sub3A = arith.constant 1 : i32
      %sub3A_63 = arith.subi %select_n3A, %sub3A : i32
      %lt3A = arith.cmpi slt, %while3A_24, %sub3A_63 : i32
      %convert_element_type3A_64 = arith.extui %lt3A : i1 to i32
      %cond3A_65 = arith.constant 0 : i32
      %cond3A_66 = arith.cmpi ne, %convert_element_type3A_64, %cond3A_65 : i32
      scf.if %cond3A_66 {
        %add3A_82 = arith.constant 2 : i32
        %add3A_83 = arith.addi %mul3A_26, %add3A_82 : i32
        %mul3A_84 = arith.constant 112 : i32
        %mul3A_85 = arith.muli %add3A_83, %mul3A_84 : i32
        %dma_start3A_86 = tpu.memref_slice %arg5[%mul3A_85] : memref<6272xi32, #tpu.memory_space<vmem>> -> memref<112xi32, #tpu.memory_space<vmem>>
        %dma_start3A_87 = arith.constant 0 : i32
        %dma_start3A_88 = arith.constant 0 : i32
        %dma_start3A_89 = tpu.memref_slice %arg3[%dma_start3A_87, %dma_start3A_88] : memref<208x128xf32, #tpu.memory_space<hbm>> -> memref<208x128xf32, #tpu.memory_space<hbm>>
        tpu.enqueue_indirect_dma source(%dma_start3A_89 : memref<208x128xf32, #tpu.memory_space<hbm>>) target(%arg6 : memref<112x128xf32, #tpu.memory_space<vmem>>) offsets(%dma_start3A_86 : memref<112xi32, #tpu.memory_space<vmem>>) semaphore(%arg8 : memref<!tpu.dma_semaphore, #tpu.memory_space<semaphore_mem>>)
      } else {
      }
      %add3A_67 = arith.constant 1 : i32
      %add3A_68 = arith.addi %mul3A_26, %add3A_67 : i32
      %mul3A_69 = arith.constant 112 : i32
      %mul3A_70 = arith.muli %add3A_68, %mul3A_69 : i32
      %add3A_71 = arith.addi %mul3A_2, %mul3A_70 : i32
      %dma_wait3A_72 = arith.constant 0 : i32
      %dma_wait3A_73 = tpu.memref_slice %arg4[%add3A_71, %dma_wait3A_72] : memref<200000x128xf32, #tpu.memory_space<hbm>> -> memref<112x128xf32, #tpu.memory_space<hbm>>
      %dma_wait3A_74 = arith.constant 0 : i32
      %dma_wait3A_75 = tpu.memref_slice %arg4[%add3A_71, %dma_wait3A_74] : memref<200000x128xf32, #tpu.memory_space<hbm>> -> memref<112x128xf32, #tpu.memory_space<hbm>>
      tpu.wait_dma2 semaphore(%arg11 : memref<!tpu.dma_semaphore, #tpu.memory_space<semaphore_mem>>) src(%arg7 : memref<112x128xf32, #tpu.memory_space<vmem>>) dst(%dma_wait3A_75 : memref<112x128xf32, #tpu.memory_space<hbm>>)
      %sub3A_76 = arith.constant 1 : i32
      %sub3A_77 = arith.subi %select_n3A, %sub3A_76 : i32
      %lt3A_78 = arith.cmpi slt, %while3A_24, %sub3A_77 : i32
      %convert_element_type3A_79 = arith.extui %lt3A_78 : i1 to i32
      %cond3A_80 = arith.constant 0 : i32
      %cond3A_81 = arith.cmpi ne, %convert_element_type3A_79, %cond3A_80 : i32
      scf.if %cond3A_81 {
        %add3A_82 = arith.constant 3 : i32
        %add3A_83 = arith.addi %mul3A_26, %add3A_82 : i32
        %mul3A_84 = arith.constant 112 : i32
        %mul3A_85 = arith.muli %add3A_83, %mul3A_84 : i32
        %dma_start3A_86 = tpu.memref_slice %arg5[%mul3A_85] : memref<6272xi32, #tpu.memory_space<vmem>> -> memref<112xi32, #tpu.memory_space<vmem>>
        %dma_start3A_87 = arith.constant 0 : i32
        %dma_start3A_88 = arith.constant 0 : i32
        %dma_start3A_89 = tpu.memref_slice %arg3[%dma_start3A_87, %dma_start3A_88] : memref<208x128xf32, #tpu.memory_space<hbm>> -> memref<208x128xf32, #tpu.memory_space<hbm>>
        tpu.enqueue_indirect_dma source(%dma_start3A_89 : memref<208x128xf32, #tpu.memory_space<hbm>>) target(%arg7 : memref<112x128xf32, #tpu.memory_space<vmem>>) offsets(%dma_start3A_86 : memref<112xi32, #tpu.memory_space<vmem>>) semaphore(%arg9 : memref<!tpu.dma_semaphore, #tpu.memory_space<semaphore_mem>>)
      } else {
      }
    }
    %while3A_22 = arith.constant 1 : i32
    scf.for %while3A_24 = %while3A_20 to %while3A_16 step %while3A_22  : i32 {
      %mul3A_25 = arith.constant 2 : i32
      %mul3A_26 = arith.muli %mul3A_25, %while3A_24 : i32
      %mul3A_27 = arith.constant 112 : i32
      %mul3A_28 = arith.muli %mul3A_26, %mul3A_27 : i32
      %dma_wait3A = tpu.memref_slice %arg5[%mul3A_28] : memref<6272xi32, #tpu.memory_space<vmem>> -> memref<112xi32, #tpu.memory_space<vmem>>
      %dma_wait3A_29 = arith.constant 0 : i32
      %dma_wait3A_30 = arith.constant 0 : i32
      %dma_wait3A_31 = tpu.memref_slice %arg3[%dma_wait3A_29, %dma_wait3A_30] : memref<208x128xf32, #tpu.memory_space<hbm>> -> memref<208x128xf32, #tpu.memory_space<hbm>>
      tpu.wait_indirect_dma semaphore(%arg8 : memref<!tpu.dma_semaphore, #tpu.memory_space<semaphore_mem>>) src(%dma_wait3A_31 : memref<208x128xf32, #tpu.memory_space<hbm>>) dst(%arg6 : memref<112x128xf32, #tpu.memory_space<vmem>>)
      %mul3A_32 = arith.constant 112 : i32
      %mul3A_33 = arith.muli %mul3A_26, %mul3A_32 : i32
      %add3A_34 = arith.addi %mul3A_2, %mul3A_33 : i32
      %dma_start3A_35 = arith.constant 0 : i32
      %dma_start3A_36 = tpu.memref_slice %arg4[%add3A_34, %dma_start3A_35] : memref<200000x128xf32, #tpu.memory_space<hbm>> -> memref<112x128xf32, #tpu.memory_space<hbm>>
      %dma_start3A_37 = arith.constant 0 : i32
      %dma_start3A_38 = tpu.memref_slice %arg4[%add3A_34, %dma_start3A_37] : memref<200000x128xf32, #tpu.memory_space<hbm>> -> memref<112x128xf32, #tpu.memory_space<hbm>>
      tpu.enqueue_dma source(%arg6 : memref<112x128xf32, #tpu.memory_space<vmem>>) target(%dma_start3A_38 : memref<112x128xf32, #tpu.memory_space<hbm>>) target_semaphore(%arg10 : memref<!tpu.dma_semaphore, #tpu.memory_space<semaphore_mem>>)
      %add3A_39 = arith.constant 1 : i32
      %add3A_40 = arith.addi %mul3A_26, %add3A_39 : i32
      %mul3A_41 = arith.constant 112 : i32
      %mul3A_42 = arith.muli %add3A_40, %mul3A_41 : i32
      %dma_wait3A_43 = tpu.memref_slice %arg5[%mul3A_42] : memref<6272xi32, #tpu.memory_space<vmem>> -> memref<112xi32, #tpu.memory_space<vmem>>
      %dma_wait3A_44 = arith.constant 0 : i32
      %dma_wait3A_45 = arith.constant 0 : i32
      %dma_wait3A_46 = tpu.memref_slice %arg3[%dma_wait3A_44, %dma_wait3A_45] : memref<208x128xf32, #tpu.memory_space<hbm>> -> memref<208x128xf32, #tpu.memory_space<hbm>>
      tpu.wait_indirect_dma semaphore(%arg9 : memref<!tpu.dma_semaphore, #tpu.memory_space<semaphore_mem>>) src(%dma_wait3A_46 : memref<208x128xf32, #tpu.memory_space<hbm>>) dst(%arg7 : memref<112x128xf32, #tpu.memory_space<vmem>>)
      %add3A_47 = arith.constant 1 : i32
      %add3A_48 = arith.addi %mul3A_26, %add3A_47 : i32
      %mul3A_49 = arith.constant 112 : i32
      %mul3A_50 = arith.muli %add3A_48, %mul3A_49 : i32
      %add3A_51 = arith.addi %mul3A_2, %mul3A_50 : i32
      %dma_start3A_52 = arith.constant 0 : i32
      %dma_start3A_53 = tpu.memref_slice %arg4[%add3A_51, %dma_start3A_52] : memref<200000x128xf32, #tpu.memory_space<hbm>> -> memref<112x128xf32, #tpu.memory_space<hbm>>
      %dma_start3A_54 = arith.constant 0 : i32
      %dma_start3A_55 = tpu.memref_slice %arg4[%add3A_51, %dma_start3A_54] : memref<200000x128xf32, #tpu.memory_space<hbm>> -> memref<112x128xf32, #tpu.memory_space<hbm>>
      tpu.enqueue_dma source(%arg7 : memref<112x128xf32, #tpu.memory_space<vmem>>) target(%dma_start3A_55 : memref<112x128xf32, #tpu.memory_space<hbm>>) target_semaphore(%arg11 : memref<!tpu.dma_semaphore, #tpu.memory_space<semaphore_mem>>)
      %mul3A_56 = arith.constant 112 : i32
      %mul3A_57 = arith.muli %mul3A_26, %mul3A_56 : i32
      %add3A_58 = arith.addi %mul3A_2, %mul3A_57 : i32
      %dma_wait3A_59 = arith.constant 0 : i32
      %dma_wait3A_60 = tpu.memref_slice %arg4[%add3A_58, %dma_wait3A_59] : memref<200000x128xf32, #tpu.memory_space<hbm>> -> memref<112x128xf32, #tpu.memory_space<hbm>>
      %dma_wait3A_61 = arith.constant 0 : i32
      %dma_wait3A_62 = tpu.memref_slice %arg4[%add3A_58, %dma_wait3A_61] : memref<200000x128xf32, #tpu.memory_space<hbm>> -> memref<112x128xf32, #tpu.memory_space<hbm>>
      tpu.wait_dma2 semaphore(%arg10 : memref<!tpu.dma_semaphore, #tpu.memory_space<semaphore_mem>>) src(%arg6 : memref<112x128xf32, #tpu.memory_space<vmem>>) dst(%dma_wait3A_62 : memref<112x128xf32, #tpu.memory_space<hbm>>)
      %sub3A = arith.constant 1 : i32
      %sub3A_63 = arith.subi %select_n3A, %sub3A : i32
      %lt3A = arith.cmpi slt, %while3A_24, %sub3A_63 : i32
      %convert_element_type3A_64 = arith.extui %lt3A : i1 to i32
      %cond3A_65 = arith.constant 0 : i32
      %cond3A_66 = arith.cmpi ne, %convert_element_type3A_64, %cond3A_65 : i32
      scf.if %cond3A_66 {
        %add3A_82 = arith.constant 2 : i32
        %add3A_83 = arith.addi %mul3A_26, %add3A_82 : i32
        %mul3A_84 = arith.constant 112 : i32
        %mul3A_85 = arith.muli %add3A_83, %mul3A_84 : i32
        %dma_start3A_86 = tpu.memref_slice %arg5[%mul3A_85] : memref<6272xi32, #tpu.memory_space<vmem>> -> memref<112xi32, #tpu.memory_space<vmem>>
        %dma_start3A_87 = arith.constant 0 : i32
        %dma_start3A_88 = arith.constant 0 : i32
        %dma_start3A_89 = tpu.memref_slice %arg3[%dma_start3A_87, %dma_start3A_88] : memref<208x128xf32, #tpu.memory_space<hbm>> -> memref<208x128xf32, #tpu.memory_space<hbm>>
        tpu.enqueue_indirect_dma source(%dma_start3A_89 : memref<208x128xf32, #tpu.memory_space<hbm>>) target(%arg6 : memref<112x128xf32, #tpu.memory_space<vmem>>) offsets(%dma_start3A_86 : memref<112xi32, #tpu.memory_space<vmem>>) semaphore(%arg8 : memref<!tpu.dma_semaphore, #tpu.memory_space<semaphore_mem>>)
      } else {
      }
      %add3A_67 = arith.constant 1 : i32
      %add3A_68 = arith.addi %mul3A_26, %add3A_67 : i32
      %mul3A_69 = arith.constant 112 : i32
      %mul3A_70 = arith.muli %add3A_68, %mul3A_69 : i32
      %add3A_71 = arith.addi %mul3A_2, %mul3A_70 : i32
      %dma_wait3A_72 = arith.constant 0 : i32
      %dma_wait3A_73 = tpu.memref_slice %arg4[%add3A_71, %dma_wait3A_72] : memref<200000x128xf32, #tpu.memory_space<hbm>> -> memref<112x128xf32, #tpu.memory_space<hbm>>
      %dma_wait3A_74 = arith.constant 0 : i32
      %dma_wait3A_75 = tpu.memref_slice %arg4[%add3A_71, %dma_wait3A_74] : memref<200000x128xf32, #tpu.memory_space<hbm>> -> memref<112x128xf32, #tpu.memory_space<hbm>>
      tpu.wait_dma2 semaphore(%arg11 : memref<!tpu.dma_semaphore, #tpu.memory_space<semaphore_mem>>) src(%arg7 : memref<112x128xf32, #tpu.memory_space<vmem>>) dst(%dma_wait3A_75 : memref<112x128xf32, #tpu.memory_space<hbm>>)
      %sub3A_76 = arith.constant 1 : i32
      %sub3A_77 = arith.subi %select_n3A, %sub3A_76 : i32
      %lt3A_78 = arith.cmpi slt, %while3A_24, %sub3A_77 : i32
      %convert_element_type3A_79 = arith.extui %lt3A_78 : i1 to i32
      %cond3A_80 = arith.constant 0 : i32
      %cond3A_81 = arith.cmpi ne, %convert_element_type3A_79, %cond3A_80 : i32
      scf.if %cond3A_81 {
        %add3A_82 = arith.constant 3 : i32
        %add3A_83 = arith.addi %mul3A_26, %add3A_82 : i32
        %mul3A_84 = arith.constant 112 : i32
        %mul3A_85 = arith.muli %add3A_83, %mul3A_84 : i32
        %dma_start3A_86 = tpu.memref_slice %arg5[%mul3A_85] : memref<6272xi32, #tpu.memory_space<vmem>> -> memref<112xi32, #tpu.memory_space<vmem>>
        %dma_start3A_87 = arith.constant 0 : i32
        %dma_start3A_88 = arith.constant 0 : i32
        %dma_start3A_89 = tpu.memref_slice %arg3[%dma_start3A_87, %dma_start3A_88] : memref<208x128xf32, #tpu.memory_space<hbm>> -> memref<208x128xf32, #tpu.memory_space<hbm>>
        tpu.enqueue_indirect_dma source(%dma_start3A_89 : memref<208x128xf32, #tpu.memory_space<hbm>>) target(%arg7 : memref<112x128xf32, #tpu.memory_space<vmem>>) offsets(%dma_start3A_86 : memref<112xi32, #tpu.memory_space<vmem>>) semaphore(%arg9 : memref<!tpu.dma_semaphore, #tpu.memory_space<semaphore_mem>>)
      } else {
      }
    }
    %convert_element_type3A = arith.extui %eq3A_3 : i1 to i32
    %cond3A = arith.constant 0 : i32
    %cond3A_23 = arith.cmpi ne, %convert_element_type3A, %cond3A : i32
    scf.if %cond3A_23 {
      %dma_start3A_24 = arith.constant 5376 : i32
      %dma_start3A_25 = tpu.memref_slice %arg5[%dma_start3A_24] : memref<6272xi32, #tpu.memory_space<vmem>> -> memref<112xi32, #tpu.memory_space<vmem>>
      %dma_start3A_26 = arith.constant 0 : i32
      %dma_start3A_27 = arith.constant 0 : i32
      %dma_start3A_28 = tpu.memref_slice %arg3[%dma_start3A_26, %dma_start3A_27] : memref<208x128xf32, #tpu.memory_space<hbm>> -> memref<208x128xf32, #tpu.memory_space<hbm>>
      tpu.enqueue_indirect_dma source(%dma_start3A_28 : memref<208x128xf32, #tpu.memory_space<hbm>>) target(%arg6 : memref<112x128xf32, #tpu.memory_space<vmem>>) offsets(%dma_start3A_25 : memref<112xi32, #tpu.memory_space<vmem>>) semaphore(%arg8 : memref<!tpu.dma_semaphore, #tpu.memory_space<semaphore_mem>>)
      %dma_wait3A = arith.constant 5376 : i32
      %dma_wait3A_29 = tpu.memref_slice %arg5[%dma_wait3A] : memref<6272xi32, #tpu.memory_space<vmem>> -> memref<112xi32, #tpu.memory_space<vmem>>
      %dma_wait3A_30 = arith.constant 0 : i32
      %dma_wait3A_31 = arith.constant 0 : i32
      %dma_wait3A_32 = tpu.memref_slice %arg3[%dma_wait3A_30, %dma_wait3A_31] : memref<208x128xf32, #tpu.memory_space<hbm>> -> memref<208x128xf32, #tpu.memory_space<hbm>>
      tpu.wait_indirect_dma semaphore(%arg8 : memref<!tpu.dma_semaphore, #tpu.memory_space<semaphore_mem>>) src(%dma_wait3A_32 : memref<208x128xf32, #tpu.memory_space<hbm>>) dst(%arg6 : memref<112x128xf32, #tpu.memory_space<vmem>>)
      %add3A_33 = arith.constant 5376 : i32
      %add3A_34 = arith.addi %mul3A_2, %add3A_33 : i32
      "tpu.region"() ({
        %run_scoped3A = tpu.sem_alloc : memref<!tpu.dma_semaphore, #tpu.memory_space<semaphore_mem>>
        %dma_start3A_53 = arith.constant 0 : i32
        %dma_start3A_54 = tpu.memref_slice %arg4[%add3A_34, %dma_start3A_53] : memref<200000x128xf32, #tpu.memory_space<hbm>> -> memref<112x128xf32, #tpu.memory_space<hbm>>
        %dma_start3A_55 = arith.constant 0 : i32
        %dma_start3A_56 = tpu.memref_slice %arg4[%add3A_34, %dma_start3A_55] : memref<200000x128xf32, #tpu.memory_space<hbm>> -> memref<112x128xf32, #tpu.memory_space<hbm>>
        tpu.enqueue_dma source(%arg6 : memref<112x128xf32, #tpu.memory_space<vmem>>) target(%dma_start3A_56 : memref<112x128xf32, #tpu.memory_space<hbm>>) target_semaphore(%run_scoped3A : memref<!tpu.dma_semaphore, #tpu.memory_space<semaphore_mem>>)
        %dma_wait3A_57 = arith.constant 0 : i32
        %dma_wait3A_58 = tpu.memref_slice %arg4[%add3A_34, %dma_wait3A_57] : memref<200000x128xf32, #tpu.memory_space<hbm>> -> memref<112x128xf32, #tpu.memory_space<hbm>>
        %dma_wait3A_59 = arith.constant 0 : i32
        %dma_wait3A_60 = tpu.memref_slice %arg4[%add3A_34, %dma_wait3A_59] : memref<200000x128xf32, #tpu.memory_space<hbm>> -> memref<112x128xf32, #tpu.memory_space<hbm>>
        tpu.wait_dma2 semaphore(%run_scoped3A : memref<!tpu.dma_semaphore, #tpu.memory_space<semaphore_mem>>) src(%arg6 : memref<112x128xf32, #tpu.memory_space<vmem>>) dst(%dma_wait3A_60 : memref<112x128xf32, #tpu.memory_space<hbm>>)
        tpu.yield
      }) : () -> ()
      %dma_start3A_35 = arith.constant 0 : i32
      %dma_start3A_36 = arith.constant 0 : i32
      %dma_start3A_37 = tpu.memref_slice %arg7[%dma_start3A_35, %dma_start3A_36] : memref<112x128xf32, #tpu.memory_space<vmem>> -> memref<80x128xf32, #tpu.memory_space<vmem>>
      %dma_start3A_38 = arith.constant 5488 : i32
      %dma_start3A_39 = tpu.memref_slice %arg5[%dma_start3A_38] : memref<6272xi32, #tpu.memory_space<vmem>> -> memref<80xi32, #tpu.memory_space<vmem>>
      %dma_start3A_40 = arith.constant 0 : i32
      %dma_start3A_41 = arith.constant 0 : i32
      %dma_start3A_42 = tpu.memref_slice %arg3[%dma_start3A_40, %dma_start3A_41] : memref<208x128xf32, #tpu.memory_space<hbm>> -> memref<208x128xf32, #tpu.memory_space<hbm>>
      tpu.enqueue_indirect_dma source(%dma_start3A_42 : memref<208x128xf32, #tpu.memory_space<hbm>>) target(%dma_start3A_37 : memref<80x128xf32, #tpu.memory_space<vmem>>) offsets(%dma_start3A_39 : memref<80xi32, #tpu.memory_space<vmem>>) semaphore(%arg9 : memref<!tpu.dma_semaphore, #tpu.memory_space<semaphore_mem>>)
      %dma_wait3A_43 = arith.constant 0 : i32
      %dma_wait3A_44 = arith.constant 0 : i32
      %dma_wait3A_45 = tpu.memref_slice %arg7[%dma_wait3A_43, %dma_wait3A_44] : memref<112x128xf32, #tpu.memory_space<vmem>> -> memref<80x128xf32, #tpu.memory_space<vmem>>
      %dma_wait3A_46 = arith.constant 5488 : i32
      %dma_wait3A_47 = tpu.memref_slice %arg5[%dma_wait3A_46] : memref<6272xi32, #tpu.memory_space<vmem>> -> memref<80xi32, #tpu.memory_space<vmem>>
      %dma_wait3A_48 = arith.constant 0 : i32
      %dma_wait3A_49 = arith.constant 0 : i32
      %dma_wait3A_50 = tpu.memref_slice %arg3[%dma_wait3A_48, %dma_wait3A_49] : memref<208x128xf32, #tpu.memory_space<hbm>> -> memref<208x128xf32, #tpu.memory_space<hbm>>
      tpu.wait_indirect_dma semaphore(%arg9 : memref<!tpu.dma_semaphore, #tpu.memory_space<semaphore_mem>>) src(%dma_wait3A_50 : memref<208x128xf32, #tpu.memory_space<hbm>>) dst(%dma_wait3A_45 : memref<80x128xf32, #tpu.memory_space<vmem>>)
      %add3A_51 = arith.constant 5488 : i32
      %add3A_52 = arith.addi %mul3A_2, %add3A_51 : i32
      "tpu.region"() ({
        %run_scoped3A = tpu.sem_alloc : memref<!tpu.dma_semaphore, #tpu.memory_space<semaphore_mem>>
        %dma_start3A_53 = arith.constant 0 : i32
        %dma_start3A_54 = arith.constant 0 : i32
        %dma_start3A_55 = tpu.memref_slice %arg7[%dma_start3A_53, %dma_start3A_54] : memref<112x128xf32, #tpu.memory_space<vmem>> -> memref<80x128xf32, #tpu.memory_space<vmem>>
        %dma_start3A_56 = arith.constant 0 : i32
        %dma_start3A_57 = tpu.memref_slice %arg4[%add3A_52, %dma_start3A_56] : memref<200000x128xf32, #tpu.memory_space<hbm>> -> memref<80x128xf32, #tpu.memory_space<hbm>>
        %dma_start3A_58 = arith.constant 0 : i32
        %dma_start3A_59 = tpu.memref_slice %arg4[%add3A_52, %dma_start3A_58] : memref<200000x128xf32, #tpu.memory_space<hbm>> -> memref<80x128xf32, #tpu.memory_space<hbm>>
        %dma_start3A_60 = arith.constant 0 : i32
        %dma_start3A_61 = arith.constant 0 : i32
        %dma_start3A_62 = tpu.memref_slice %arg7[%dma_start3A_60, %dma_start3A_61] : memref<112x128xf32, #tpu.memory_space<vmem>> -> memref<80x128xf32, #tpu.memory_space<vmem>>
        tpu.enqueue_dma source(%dma_start3A_62 : memref<80x128xf32, #tpu.memory_space<vmem>>) target(%dma_start3A_59 : memref<80x128xf32, #tpu.memory_space<hbm>>) target_semaphore(%run_scoped3A : memref<!tpu.dma_semaphore, #tpu.memory_space<semaphore_mem>>)
        %dma_wait3A_63 = arith.constant 0 : i32
        %dma_wait3A_64 = arith.constant 0 : i32
        %dma_wait3A_65 = tpu.memref_slice %arg7[%dma_wait3A_63, %dma_wait3A_64] : memref<112x128xf32, #tpu.memory_space<vmem>> -> memref<80x128xf32, #tpu.memory_space<vmem>>
        %dma_wait3A_66 = arith.constant 0 : i32
        %dma_wait3A_67 = tpu.memref_slice %arg4[%add3A_52, %dma_wait3A_66] : memref<200000x128xf32, #tpu.memory_space<hbm>> -> memref<80x128xf32, #tpu.memory_space<hbm>>
        %dma_wait3A_68 = arith.constant 0 : i32
        %dma_wait3A_69 = tpu.memref_slice %arg4[%add3A_52, %dma_wait3A_68] : memref<200000x128xf32, #tpu.memory_space<hbm>> -> memref<80x128xf32, #tpu.memory_space<hbm>>
        %dma_wait3A_70 = arith.constant 0 : i32
        %dma_wait3A_71 = arith.constant 0 : i32
        %dma_wait3A_72 = tpu.memref_slice %arg7[%dma_wait3A_70, %dma_wait3A_71] : memref<112x128xf32, #tpu.memory_space<vmem>> -> memref<80x128xf32, #tpu.memory_space<vmem>>
        tpu.wait_dma2 semaphore(%run_scoped3A : memref<!tpu.dma_semaphore, #tpu.memory_space<semaphore_mem>>) src(%dma_wait3A_72 : memref<80x128xf32, #tpu.memory_space<vmem>>) dst(%dma_wait3A_69 : memref<80x128xf32, #tpu.memory_space<hbm>>)
        tpu.yield
      }) : () -> ()
    } else {
    }
    return
  }
}

module attributes {stable_mosaic.version = 14 : i64} {
  func.func @_conv_body(%arg0: i32, %arg1: memref<1600x128xf32, #tpu.memory_space<vmem>>, %arg2: memref<800x192xf32, #tpu.memory_space<vmem>>) attributes {dimension_semantics = [#tpu.dimension_semantics<arbitrary>], iteration_bounds = array<i64: 125>, scalar_prefetch = 0 : i64, scratch_operands = 0 : i64, tpu.core_type = #tpu.core_type<tc>, window_params = [{transform_indices = @transform_0, window_bounds = array<i64: 1600, 128>}, {transform_indices = @transform_1, window_bounds = array<i64: 800, 192>}]} {
    %get3A = arith.constant 0 : index
    %get3A_0 = arith.constant 0 : index
    %get3A_1 = vector.load %arg1[%get3A, %get3A_0] : memref<1600x128xf32, #tpu.memory_space<vmem>>, vector<1600x128xf32>
    %reshape3A = vector.shape_cast %get3A_1 : vector<1600x128xf32> to vector<100x16x128xf32>
    %slice3A = vector.extract_strided_slice %reshape3A {offsets = [0, 0, 0], sizes = [100, 8, 128], strides = [1, 1, 1]} : vector<100x16x128xf32> to vector<100x8x128xf32>
    %reshape3A_2 = vector.shape_cast %slice3A : vector<100x8x128xf32> to vector<800x128xf32>
    %swap3A = arith.constant 0 : index
    %swap3A_3 = arith.constant 0 : index
    %swap3A_4 = vector.load %arg2[%swap3A, %swap3A_3] : memref<800x192xf32, #tpu.memory_space<vmem>>, vector<800x128xf32>
    tpu.vector_store %arg2[%swap3A, %swap3A_3], %reshape3A_2 {strides = array<i32>} : memref<800x192xf32, #tpu.memory_space<vmem>>, vector<800x128xf32>,
    %slice3A_5 = vector.extract_strided_slice %reshape3A {offsets = [0, 8, 0], sizes = [100, 8, 128], strides = [1, 1, 1]} : vector<100x16x128xf32> to vector<100x8x128xf32>
    %reshape3A_6 = vector.shape_cast %slice3A_5 : vector<100x8x128xf32> to vector<800x128xf32>
    %slice3A_7 = vector.extract_strided_slice %reshape3A_6 {offsets = [0, 0], sizes = [800, 64], strides = [1, 1]} : vector<800x128xf32> to vector<800x64xf32>
    %swap3A_8 = arith.constant 0 : index
    %swap3A_9 = arith.constant 128 : index
    %swap3A_10 = vector.load %arg2[%swap3A_8, %swap3A_9] : memref<800x192xf32, #tpu.memory_space<vmem>>, vector<800x64xf32>
    tpu.vector_store %arg2[%swap3A_8, %swap3A_9], %slice3A_7 {strides = array<i32>} : memref<800x192xf32, #tpu.memory_space<vmem>>, vector<800x64xf32>,
    return
  }
  func.func @transform_0(%arg0: i32) -> (i32, i32) {
    %c0_i32 = arith.constant 0 : i32
    %c0_i32_0 = arith.constant 0 : i32
    return %arg0, %c0_i32 : i32, i32
  }
  func.func @transform_1(%arg0: i32) -> (i32, i32) {
    %c0_i32 = arith.constant 0 : i32
    %c0_i32_0 = arith.constant 0 : i32
    return %arg0, %c0_i32 : i32, i32
  }
}

</mosaic_0001>

<sc_bundles>
// kernel: kernel.4.cloned.1.call-start
scs
__scs_entry_jumppad:
0x0: {  	(pc) =	sbr.rel $0x88, $3  }
0x1: {  	(tag) =	ssettag $0x0;
	lr =	simm.s32 $0x1  }
0x2: {  	[smem:$0x3F9F] =	sst lr;
	_ =	strace $0xD0000000  }
0x3: {  	_ = 	snop  }
0x4: {  	_ = 	snop  }
0x5: {  	_ = 	snop  }
0x6: {  	_ = 	snop  }
0x7: {  	_ = 	snop  }
__scs_overlays_trampoline_lowered:
0x8: {  	[smem:$0x3FAE] =	sst s0  }
0x9: {  	[smem:$0x3FAF] =	sst s1  }
0xa: {  	[smem:$0x3FB0] =	sst s2  }
0xb: {  	[smem:$0x3FB1] =	sst s3  }
0xc: {  	[smem:$0x3FB2] =	sst s4  }
0xd: {  	[smem:$0x3FB3] =	sst s5  }
0xe: {  	[smem:$0x3FB4] =	sst s6  }
0xf: {  	[smem:$0x3FB5] =	sst s7  }
0x10: {  	[smem:$0x3FB6] =	sst s8  }
0x11: {  	[smem:$0x3FB7] =	sst s9;
	s0 =	simm.s32 @!p0 $0x0  }
0x12: {  	s1 =	sld [smem:$0x3F9D];
	s0 =	simm.s32 @p0 $0x1  }
0x13: {  	[smem:$0x3FB8] =	sst s0;
	s0 =	simm.s32 @!p1 $0x0  }
0x14: {  	s2 =	sld [smem:$0x3F9C];
	s0 =	simm.s32 @p1 $0x1  }
0x15: {  	[smem:$0x3FB9] =	sst s0;
	s0 =	simm.s32 @!p2 $0x0  }
0x16: {  	s3 =	sld [smem:$0x3FDB];
	s0 =	simm.s32 @p2 $0x1  }
0x17: {  	s4 =	simm.s32 $0x1BF5;
	[smem:$0x3FBB] =	sst s0  }
0x18: {  	s0 =	sld [smem:$0x3F9E];
	_ =	swait.ge [sflag:s4], $0x0  }
0x19: {  	s7 =	sld [smem:$0x3F9F]  }
0x1a: {  	s8 =	sadd.s32 $0xFFFFE003, lr  }
0x1b: {  	s9 =	sadd.s32 $0xFFFFFEF7, lr;
	s5 =	simm.s32 $0xFFFFFFFF;
	p2 =	slt.u32 s8, $0xFFFFF086  }
0x1c: {  	p1 =	slt.u32 s9, $0xF7A;
	s5 =	simm.s32 @!p2 $0x0  }
0x1d: {  	s5 =	simm.s32 @p1 $0x1;
	p0 =	seq.s32 s7, s2  }
0x1e: {  	s7 =	smul.u32 @!p0 $0xF7A, s2;
	p2 =	seq.s32 @!p0 s5, $0x0  }
0x1f: {  	s9 =	smul.u32 $0xF7A, s1;
	s8 =	simm.s32 @!p0 $0x1BF5;
	p2 =	por !p2, p0  }
0x20: {  	[sflag:s8] =	ssyncset.s32 @!p0 $0xFFFFF086;
	s6 =	sadd.s32 @!p0 s3, s7;
	s7 =	simm.s32 @!p0 $0x108  }
0x21: {  	s3 =	sadd.s32 s3, s9;
	s6 =	sadd.s32 @!p0 $0x88, s6;
	s7 =	simm.s32 @p2 $0x1082  }
0x22: {  	[simem:s7], [sflag:s8] =	dma.local @!p0 [hbm:s6], $0xF7A  }
0x23: {  	s9 =	sor.u32 $0xD0000000, s2;
	s6 =	simm.s32 $0x108;
	_ =	swait.ge @!p0 [sflag:s8], $0x0  }
0x24: {  	s3 =	sadd.s32 $0x88, s3;
	s6 =	simm.s32 @!p1 $0x1082;
	[sflag:s4] =	ssyncset.s32 $0xFFFFF086  }
0x25: {  	[simem:s6], [sflag:s4] =	dma.local [hbm:s3], $0xF7A  }
0x26: {  	[smem:$0x3F9F] =	sst s1;
	(tag) =	ssettag s2;
	_ =	strace s9  }
0x27: {  	s1 =	sld [smem:$0x3FAF]  }
0x28: {  	s2 =	sld [smem:$0x3FB0]  }
0x29: {  	s4 =	sld [smem:$0x3FB2]  }
0x2a: {  	p0 =	seq.s32 s5, $0x0;
	s5 =	sld [smem:$0x3FB3]  }
0x2b: {  	s6 =	sld [smem:$0x3FB4]  }
0x2c: {  	s7 =	sld [smem:$0x3FB5]  }
0x2d: {  	s3 =	simm.s32 $0x108;
	s8 =	sld [smem:$0x3FB6]  }
0x2e: {  	s3 =	simm.s32 @!p0 $0x1082;
	s9 =	sld [smem:$0x3FB7]  }
0x2f: {  	lr =	sadd.s32 s0, s3;
	s0 =	sld [smem:$0x3FAE]  }
0x30: {  	s3 =	sld [smem:$0x3FB1]  }
0x31: {  	[smem:$0x3FBA] =	sst s10  }
0x32: {  	s10 =	sld [smem:$0x3FB8];
	_ =	sdelay $0x3  }
0x33: {  	p0 =	seq.s32 s10, $0x1;
	s10 =	sld [smem:$0x3FBA];
	_ =	sdelay $0x3  }
0x34: {  	[smem:$0x3FBA] =	sst s10  }
0x35: {  	s10 =	sld [smem:$0x3FB9];
	_ =	sdelay $0x3  }
0x36: {  	p1 =	seq.s32 s10, $0x1;
	s10 =	sld [smem:$0x3FBA];
	_ =	sdelay $0x3  }
0x37: {  	[smem:$0x3FBA] =	sst s10  }
0x38: {  	s10 =	sld [smem:$0x3FBB]  }
0x39: {  	_ = 	snop;
	(pc) =	sbr.ind lr, $3  }
0x3a: {  	_ = 	snop  }
0x3b: {  	_ = 	snop  }
0x3c: {  	p2 =	seq.s32 s10, $0x1;
	s10 =	sld [smem:$0x3FBA]  }
0x3d: {  	_ =	shalt  }
0x3e: {  	_ =	shalt  }
0x3f: {  	_ =	shalt  }
0x40: {  	_ =	shalt  }
0x41: {  	_ =	shalt  }
0x42: {  	_ =	shalt  }
0x43: {  	_ =	shalt  }
0x44: {  	_ =	shalt  }
0x45: {  	_ =	shalt  }
0x46: {  	_ =	shalt  }
0x47: {  	_ =	shalt  }
0x48: {  	_ =	shalt  }
0x49: {  	_ =	shalt  }
0x4a: {  	_ =	shalt  }
0x4b: {  	_ =	shalt  }
0x4c: {  	_ =	shalt  }
0x4d: {  	_ =	shalt  }
0x4e: {  	_ =	shalt  }
0x4f: {  	_ =	shalt  }
0x50: {  	_ =	shalt  }
0x51: {  	_ =	shalt  }
0x52: {  	_ =	shalt  }
0x53: {  	_ =	shalt  }
0x54: {  	_ =	shalt  }
0x55: {  	_ =	shalt  }
0x56: {  	_ =	shalt  }
0x57: {  	_ =	shalt  }
0x58: {  	_ =	shalt  }
0x59: {  	_ =	shalt  }
0x5a: {  	_ =	shalt  }
0x5b: {  	_ =	shalt  }
0x5c: {  	_ =	shalt  }
0x5d: {  	_ =	shalt  }
0x5e: {  	_ =	shalt  }
0x5f: {  	_ =	shalt  }
0x60: {  	_ =	shalt  }
0x61: {  	_ =	shalt  }
0x62: {  	_ =	shalt  }
0x63: {  	_ =	shalt  }
0x64: {  	_ =	shalt  }
0x65: {  	_ =	shalt  }
0x66: {  	_ =	shalt  }
0x67: {  	_ =	shalt  }
0x68: {  	_ =	shalt  }
0x69: {  	_ =	shalt  }
0x6a: {  	_ =	shalt  }
0x6b: {  	_ =	shalt  }
0x6c: {  	_ =	shalt  }
0x6d: {  	_ =	shalt  }
0x6e: {  	_ =	shalt  }
0x6f: {  	_ =	shalt  }
0x70: {  	_ =	shalt  }
0x71: {  	_ =	shalt  }
0x72: {  	_ =	shalt  }
0x73: {  	_ =	shalt  }
0x74: {  	_ =	shalt  }
0x75: {  	_ =	shalt  }
0x76: {  	_ =	shalt  }
0x77: {  	_ =	shalt  }
0x78: {  	_ =	shalt  }
0x79: {  	_ =	shalt  }
0x7a: {  	_ =	shalt  }
0x7b: {  	_ =	shalt  }
0x7c: {  	_ =	shalt  }
0x7d: {  	_ =	shalt  }
0x7e: {  	_ =	shalt  }
0x7f: {  	_ =	shalt  }
0x80: {  	_ =	shalt  }
0x81: {  	_ =	shalt  }
0x82: {  	_ =	shalt  }
0x83: {  	_ =	shalt  }
0x84: {  	_ =	shalt  }
0x85: {  	_ =	shalt  }
0x86: {  	_ =	shalt  }
0x87: {  	_ =	shalt  }
.Lfunc_end0:
.L_simem_size_0:
called_computation_lowered:
.L_overlay_start_0:
0x88: {  	s2 =	sld [smem:$0x3FD9]  }
0x89: {  	s3 =	sld [smem:$0x3FFE];
	_ =	sdelay $0x1  }
0x8a: {  	s1 =	srdreg.scid  }
0x8b: {  	s0 =	sand.u32 $0x1, s1  }
0x8c: {  	s17 =	sshll.u32 s0, $0xA;
	s2 =	sadd.s32 s3, s2  }
0x8d: {  	s2 =	sadd.s32 s2, s17  }
0x8e: {  	[smem:$0x3FC6] =	sst s2  }
0x8f: {  	_ = 	snop  }
0x90: {  	s2 =	sld [smem:$0x3FD0];
	(tm) =	ssettm $0x1  }
0x91: {  	s18 =	sld [smem:$0x3FFB];
	_ =	sdelay $0x3  }
0x92: {  	_ =	strace s18  }
0x93: {  	s3 =	sld [smem:$0x3FFC];
	_ =	sdelay $0x3  }
0x94: {  	_ =	strace s3  }
0x95: {  	s3 =	sld [smem:$0x3FFD];
	_ =	sdelay $0x3  }
0x96: {  	_ =	strace s3  }
0x97: {  	_ =	strace $0x8FFFFFFF  }
0x98: {  	s19 =	sld [smem:$0x3FDB];
	_ =	sdelay $0x1  }
0x99: {  	s4 =	simm.s32 $_scs_section_size  }
0x9a: {  	s5 =	simm.s32 $_size__tile_overlayer_lowered;
	s6 =	simm.s32 $_tile_overlayer_lowered  }
0x9b: {  	s22 =	simm.s32 $0x1BFF;
	s21 =	sshll.u32 s6, $0x1;
	s3 =	sadd.s32 s4, s19  }
0x9c: {  	s7 =	simm.s32 $0x0;
	s20 =	sshll.u32 s5, $0x1;
	s5 =	sadd.s32 s21, s3  }
0x9d: {  	[timem:s7], [sflag:s22] =	dma.local [hbm:s5], s20  }
0x9e: {  	_ =	swait.ge [sflag:s22], s20  }
0x9f: {  	s4 =	ssub.s32 $0x0, s20;
	[sflag:s22] =	ssyncset.done $0x0  }
0xa0: {  	[sflag:s22] =	ssyncadd.s32 s4;
	_ =	sdelay $0x1  }
0xa1: {  	s23 =	simm.s32 $0x1B8B  }
0xa2: {  	_ =	swait.ge [sflag:s23], $0x1  }
0xa3: {  	[sflag:s23] =	ssyncset.done $0x0  }
0xa4: {  	s25 =	simm.s32 $0x1B8E;
	s24 =	sld [smem:$0x3FFE];
	[sflag:s23] =	ssyncadd.s32 $0xFFFFFFFF  }
0xa5: {  	s26 =	simm.s32 $execute0_lowered;
	[smem:$0x3FD2] =	sst s25  }
0xa6: {  	s5 =	sshll.u32 s26, $0x1;
	_ =	strace $0x80000046;
	[dreg:$0x1] =	wrdreg $0xFFFFFFFF  }
0xa7: {  	s28 =	simm.s32 $_size_execute0_lowered;
	s3 =	sadd.s32 s3, s5;
	[dreg:$0x0] =	wrdreg $0x0  }
0xa8: {  	s5 =	sshll.u32 s28, $0x1;
	[dreg:$0x2] =	wrdreg s3  }
0xa9: {  	[dreg:$0x3] =	wrdreg s5  }
0xaa: {  	[dreg:$0x4] =	wrdreg $0xC0  }
0xab: {  	_ =	task [dreg:s7], $0x5FFFF  }
0xac: {  	[dreg:$0x1] =	wrdreg $0xFFFFFFFF  }
0xad: {  	[dreg:$0x0] =	wrdreg $0x60  }
0xae: {  	[dreg:$0x2] =	wrdreg s2  }
0xaf: {  	[dreg:$0x3] =	wrdreg s24  }
0xb0: {  	[dreg:$0x4] =	wrdreg $0x9  }
0xb1: {  	_ =	task.clear_ibuf [dreg:s7], $0x5FFFF;
	_ =	strace $0x90000046  }
0xb2: {  	s29 =	simm.s32 $0x9;
	_ =	strace $0x80000048  }
0xb3: {  	_ =	swait.ge [sflag:s29], $0x1  }
0xb4: {  	[sflag:s29] =	ssyncadd.s32 $0xFFFFFFFF  }
0xb5: {  	_ =	strace $0x90000048  }
0xb6: {  	_ =	sfence  }
0xb7: {  	s30 =	sld [smem:$0x0];
	_ =	sdelay $0x2  }
0xb8: {  	s31 =	sshll.u32 s1, $0xD;
	s1 =	sshrl.u32 s1, $0x2  }
0xb9: {  	s3 =	sand.u32 $0x4000, s31;
	s1 =	sadd.s32 s1, s30  }
0xba: {  	s0 =	sor.u32 s3, s0;
	s1 =	sshll.u32 s1, $0x11  }
0xbb: {  	s0 =	sor.u32 s1, s0  }
0xbc: {  	s0 =	sadd.s32 $0x8F2B, s0  }
0xbd: {  	[sflag:s0] =	ssyncadd.remote.s32 $0x1  }
0xbe: {  	_ =	sfence.sel $0xFFFF  }
0xbf: {  	[dreg:$0x0] =	wrdreg $0xFFFFFFFF;
	(pc) =	sbr.abs _section_cstart, $3  }
0xc0: {  	[dreg:$0x1] =	wrdreg $0xFFFFFFFF  }
0xc1: {  	_ =	task.clear_ibuf [dreg:s7], $0x2FFFF;
	_ =	strace $0x9FFFFFFF  }
0xc2: {  	(tm) =	ssettm $0x7FFFFFFF  }
0xc3: {  	_ =	shalt  }
tec
execute0_lowered:
.L_overlay_start_1:
0x0: {  	(tag) =	ssettag $0x1  }
0x1: {  	s4 =	rddreg [dreg:$0x0]  }
0x2: {  	s7 =	rddreg [dreg:$0x1]  }
0x3: {  	s0 =	rddreg [dreg:$0x2]  }
0x4: {  	s2 =	simm.s32 $0x0;
	s3 =	srdreg.scid;
	s1 =	stileid.u32  }
0x5: {  	s15 =	simm.s32 $0x5080;
	s16 =	simm.s32 $0x1;
	s17 =	simm.s32 $0x2  }
0x6: {  	s18 =	simm.s32 $0x3;
	s19 =	simm.s32 $0x4;
	[smem:$0x7FF] =	sst s2  }
0x7: {  	s9 =	sand.u32 $0x1, s3;
	s26 =	sshll.u32 s1, $0x1;
	s12 =	smul.u32 $0x3100, s1  }
0x8: {  	s3 =	sadd.s32 $0x600, s7;
	s10 =	sadd.s32 $0x1400, s7;
	s29 =	smul.u32 $0x31000, s1  }
0x9: {  	_ =	strace $0x80000047;
	s5 =	ssub.s32 $0x2, s9;
	s13 =	smul.u32 $0x1880, s9  }
0xa: {  	s20 =	sor.u32 s9, s26;
	s31 =	smul.u32 $0x18800, s9;
	s6 =	sshrl.u32 s5, $0x1  }
0xb: {  	s8 =	smul.u32 $0x1880, s20;
	p0 =	seq.s32 s20, $0x1F;
	s11 =	ssub.s32 s5, s6  }
0xc: {  	s6 =	sadd.s32 $0x30DC00, s7;
	s7 =	sadd.s32 $0x30E300, s7;
	s12 =	sadd.s32 s13, s12  }
0xd: {  	s13 =	sadd.s32 s29, s10;
	s28 =	sshrl.u32 s8, $0x3;
	s8 =	simm.s32 $0x18  }
0xe: {  	s30 =	sshll.u32 s12, $0x4;
	s12 =	simm.s32 $0x5;
	s8 =	simm.s32 @!p0 $0x1C  }
0xf: {  	s4 =	sadd.s32 s4, s28;
	p0 =	sne.s32 s20, $0x1F;
	s5 =	sadd.s32 $0xFFFFFFFF, s8  }
0x10: {  	s14 =	smul.u32 $0xE00, s8;
	s8 =	smax.u32 s11, $0x1;
	s11 =	sadd.s32 s30, s10  }
0x11: {  	s20 =	simm.s32 $0x0;
	s10 =	sadd.s32 $0x700, s11;
	s11 =	sadd.s32 s31, s13  }
0x12: {  	s13 =	simm.s32 $0x70;
	s9 =	sadd.s32 $0xFFFFF200, s14;
	s14 =	simm.s32 $0x1880  }
.LBB2_1:
0x13: {  	[tilespmem:s2], [sflag:$0x5] =	stream.linear.gather [hbm4b:s4+s2], $0x1880, $0x38;
	[tilespmem:$0x8880] =	vst v63  }
0x14: {  	_ =	swait.ge [sflag:s12], $0x1880  }
0x15: {  	[sflag:s12] =	ssyncset.done $0x0  }
0x16: {  	[sflag:s12] =	ssyncadd.s32 $0xFFFFE780  }
0x17: {  	[tilespmem:s14], [sflag:$0x1] =	stream.indirect.gather [hbm4b:s3+s13], $0x80, s2, s13, $0xb8;
	[tilespmem:$0x8880] =	vst v63  }
0x18: {  	_ = 	snop  }
0x19: {  	[tilespmem:s15], [sflag:$0x2] =	stream.indirect.gather [hbm4b:s3+s13], $0x80, s13, s13, $0xb8;
	[tilespmem:$0x8880] =	vst v63  }
0x1a: {  	_ =	swait.ge [sflag:s16], $0x3800  }
0x1b: {  	[sflag:s16] =	ssyncset.done $0x0  }
0x1c: {  	s21 =	sadd.s32 $0x0, s11;
	[sflag:s16] =	ssyncadd.s32 $0xFFFFC800  }
0x1d: {  	[hbm4b:s21+s2] =	stream.linear.scatter [tilespmem:s14], [sflag:$0x3], $0x3800, $0x38;
	[tilespmem:$0x8880] =	vst v63  }
0x1e: {  	_ =	swait.ge [sflag:s17], $0x3800  }
0x1f: {  	[sflag:s17] =	ssyncset.done $0x0  }
0x20: {  	s30 =	sadd.s32 $0x0, s10;
	[sflag:s17] =	ssyncadd.s32 $0xFFFFC800  }
0x21: {  	[hbm4b:s30+s2] =	stream.linear.scatter [tilespmem:s15], [sflag:$0x4], $0x3800, $0x38;
	[tilespmem:$0x8880] =	vst v63  }
0x22: {  	_ =	swait.ge [sflag:s18], $0x3800  }
0x23: {  	p1 =	sne.s32 s9, $0xE00;
	[sflag:s18] =	ssyncset.done $0x0  }
.Ltmp0:
0x24: {  	s31 =	simm.s32 $0xE0;
	[sflag:s18] =	ssyncadd.s32 $0xFFFFC800;
	(pc) =	sbr.rel @!p1 .LBB2_3-.Ltmp0, $4  }
0x25: {  	[tilespmem:s14], [sflag:$0x1] =	stream.indirect.gather [hbm4b:s3+s13], $0x80, s31, s13, $0xb8;
	[tilespmem:$0x8880] =	vst v63  }
0x26: {  	s25 =	simm.s32 $0x150;
	_ =	swait.ge [sflag:s19], $0x3800  }
0x27: {  	s23 =	simm.s32 $0xE00;
	s22 =	simm.s32 $0x1;
	[sflag:s19] =	ssyncset.done $0x0  }
0x28: {  	s24 =	simm.s32 $0x150;
	s21 =	simm.s32 $0x230;
	[sflag:s19] =	ssyncadd.s32 $0xFFFFC800  }
.LBB2_2:
0x29: {  	s24 =	smov.u32 s21  }
0x2a: {  	[tilespmem:s15], [sflag:$0x2] =	stream.indirect.gather [hbm4b:s3+s13], $0x80, s25, s13, $0xb8;
	[tilespmem:$0x8880] =	vst v63  }
0x2b: {  	s26 =	smov.u32 s23;
	s23 =	sadd.s32 $0xE00, s23;
	_ =	swait.ge [sflag:s16], $0x3800  }
0x2c: {  	p1 =	sne.s32 s9, s23;
	s25 =	smov.u32 s21;
	[sflag:s16] =	ssyncset.done $0x0  }
0x2d: {  	s28 =	sadd.s32 s26, s11;
	[sflag:s16] =	ssyncadd.s32 $0xFFFFC800  }
0x2e: {  	[hbm4b:s28+s2] =	stream.linear.scatter [tilespmem:s14], [sflag:$0x3], $0x3800, $0x38;
	[tilespmem:$0x8880] =	vst v63  }
0x2f: {  	_ =	swait.ge [sflag:s17], $0x3800  }
0x30: {  	[sflag:s17] =	ssyncset.done $0x0  }
0x31: {  	s26 =	sadd.s32 s26, s10;
	[sflag:s17] =	ssyncadd.s32 $0xFFFFC800  }
0x32: {  	[hbm4b:s26+s2] =	stream.linear.scatter [tilespmem:s15], [sflag:$0x4], $0x3800, $0x38;
	[tilespmem:$0x8880] =	vst v63  }
0x33: {  	_ =	swait.ge [sflag:s18], $0x3800  }
0x34: {  	[sflag:s18] =	ssyncset.done $0x0  }
.Ltmp1:
0x35: {  	s26 =	sadd.s32 $0xFFFFFF90, s21;
	[sflag:s18] =	ssyncadd.s32 $0xFFFFC800;
	(pc) =	sbr.rel @p1 .LBB2_2-.Ltmp1, $4  }
0x36: {  	[tilespmem:s14], [sflag:$0x1] =	stream.indirect.gather [hbm4b:s3+s13], $0x80, s26, s13, $0xb8;
	[tilespmem:$0x8880] =	vst v63  }
0x37: {  	_ =	swait.ge [sflag:s19], $0x3800  }
0x38: {  	[sflag:s19] =	ssyncset.done $0x0  }
0x39: {  	s22 =	sadd.s32 $0x1, s22;
	s21 =	sadd.s32 $0xE0, s21;
	[sflag:s19] =	ssyncadd.s32 $0xFFFFC800  }
.LBB2_3:
0x3a: {  	[tilespmem:s15], [sflag:$0x2] =	stream.indirect.gather [hbm4b:s3+s13], $0x80, s25, s13, $0xb8;
	[tilespmem:$0x8880] =	vst v63  }
0x3b: {  	_ =	swait.ge [sflag:s16], $0x3800  }
0x3c: {  	[sflag:s16] =	ssyncset.done $0x0  }
0x3d: {  	s30 =	sadd.s32 s23, s11;
	[sflag:s16] =	ssyncadd.s32 $0xFFFFC800  }
0x3e: {  	[hbm4b:s30+s2] =	stream.linear.scatter [tilespmem:s14], [sflag:$0x3], $0x3800, $0x38;
	[tilespmem:$0x8880] =	vst v63  }
0x3f: {  	_ =	swait.ge [sflag:s17], $0x3800  }
0x40: {  	[sflag:s17] =	ssyncset.done $0x0  }
0x41: {  	s31 =	sadd.s32 s23, s10;
	[sflag:s17] =	ssyncadd.s32 $0xFFFFC800  }
0x42: {  	[hbm4b:s31+s2] =	stream.linear.scatter [tilespmem:s15], [sflag:$0x4], $0x3800, $0x38;
	[tilespmem:$0x8880] =	vst v63  }
0x43: {  	p1 =	slt.u32 s22, s5;
	_ =	swait.ge [sflag:s18], $0x3800  }
0x44: {  	s22 =	sadd.s32 @p1 $0x70, s24;
	[sflag:s18] =	ssyncset.done $0x0  }
0x45: {  	s23 =	simm.s32 @p1 $0x70;
	s24 =	simm.s32 @p1 $0x1880;
	[sflag:s18] =	ssyncadd.s32 $0xFFFFC800  }
0x46: {  	[tilespmem:s24], [sflag:$0x1] =	stream.indirect.gather @p1 [hbm4b:s3+s23], $0x80, s22, s23, $0xb8;
	[tilespmem:$0x8880] =	vst v63  }
0x47: {  	s22 =	simm.s32 @p1 $0x4  }
0x48: {  	_ =	swait.ge @p1 [sflag:s22], $0x3800  }
0x49: {  	[sflag:s22] =	ssyncset.done @p1 $0x0  }
0x4a: {  	[sflag:s22] =	ssyncadd.s32 @p1 $0xFFFFC800;
	s22 =	simm.s32 @p1 $0x5080  }
0x4b: {  	[tilespmem:s22], [sflag:$0x2] =	stream.indirect.gather @p1 [hbm4b:s3+s23], $0x80, s21, s23, $0xb8;
	[tilespmem:$0x8880] =	vst v63  }
0x4c: {  	s21 =	simm.s32 @!p1 $0x4  }
0x4d: {  	_ =	swait.ge @!p1 [sflag:s21], $0x3800  }
0x4e: {  	s22 =	simm.s32 @!p0 $0x1500;
	[sflag:s21] =	ssyncset.done @!p1 $0x0  }
0x4f: {  	s23 =	simm.s32 @!p0 $0x1880;
	[sflag:s21] =	ssyncadd.s32 @!p1 $0xFFFFC800;
	s21 =	simm.s32 @!p0 $0x70  }
0x50: {  	[tilespmem:s23], [sflag:$0x1] =	stream.indirect.gather @!p0 [hbm4b:s3+s21], $0x80, s22, s21, $0xb8;
	[tilespmem:$0x8880] =	vst v63  }
0x51: {  	s21 =	simm.s32 @!p0 $0x1  }
0x52: {  	_ =	swait.ge @!p0 [sflag:s21], $0x3800  }
0x53: {  	[sflag:s21] =	ssyncset.done @!p0 $0x0  }
0x54: {  	s22 =	simm.s32 @!p0 $0x5;
	[sflag:s21] =	ssyncadd.s32 @!p0 $0xFFFFC800;
	s21 =	simm.s32 @!p0 $0x0  }
0x55: {  	[hbm4b:s6+s21] =	stream.linear.scatter @!p0 [tilespmem:s23], [sflag:$0x5], $0x3800, $0x38;
	[tilespmem:$0x8880] =	vst v63  }
0x56: {  	_ =	swait.ge @!p0 [sflag:s22], $0x3800  }
0x57: {  	s25 =	simm.s32 @!p0 $0x5080;
	[sflag:s22] =	ssyncset.done @!p0 $0x0  }
0x58: {  	s24 =	simm.s32 @!p0 $0x1570;
	s23 =	simm.s32 @!p0 $0x50;
	[sflag:s22] =	ssyncadd.s32 @!p0 $0xFFFFC800  }
0x59: {  	[tilespmem:s25], [sflag:$0x2] =	stream.indirect.gather @!p0 [hbm4b:s3+s23], $0x80, s24, s23, $0xb8;
	[tilespmem:$0x8880] =	vst v63  }
0x5a: {  	s23 =	simm.s32 @!p0 $0x2  }
0x5b: {  	s20 =	sadd.s32 $0x1, s20;
	_ =	swait.ge @!p0 [sflag:s23], $0x2800  }
0x5c: {  	p1 =	sne.s32 s20, s8;
	[sflag:s23] =	ssyncset.done @!p0 $0x0  }
.Ltmp2:
0x5d: {  	[sflag:s23] =	ssyncadd.s32 @!p0 $0xFFFFD800;
	(pc) =	sbr.rel @p1 .LBB2_1-.Ltmp2, $4  }
0x5e: {  	[hbm4b:s7+s21] =	stream.linear.scatter @!p0 [tilespmem:s25], [sflag:$0x5], $0x2800, $0x38;
	[tilespmem:$0x8880] =	vst v63  }
0x5f: {  	_ =	swait.ge @!p0 [sflag:s22], $0x2800  }
0x60: {  	[sflag:s22] =	ssyncset.done @!p0 $0x0  }
0x61: {  	[sflag:s22] =	ssyncadd.s32 @!p0 $0xFFFFD800  }
0x62: {  	_ =	sfence.sel $0x180000  }
0x63: {  	[bflag:$0x0] =	sbarrier.arrive $0xFFFF  }
0x64: {  	p0 =	sne.s32 s1, $0x0;
	_ =	strace $0x90000047  }
0x65: {  	s0 =	sadd.s32 @!p0 $0x100000, s0;
	[bflag:$0x2] =	sbarrier.arrive $0xFFFF  }
0x66: {  	[sflag:s0] =	ssyncadd.tile.s32 @!p0 $0x1;
	_ =	shalt  }
.Lfunc_end2:
_tile_overlayer_lowered:
.L_overlay_start_2:
0x67: {  	(tag) =	ssettag $0x2  }
0x68: {  	s0 =	rddreg [dreg:$0x0];
	s2 =	stileid.u32  }
0x69: {  	s1 =	rddreg [dreg:$0x1];
	p0 =	sne.s32 s2, $0x0  }
0x6a: {  	s3 =	rddreg [dreg:$0x2];
	[bflag:$0x3] =	sbarrier.arrive $0xFFFF;
	s2 =	simm.s32 @!p0 $0x1C05  }
0x6b: {  	[timem:s3], [sflag:s2] =	dma.local @!p0 [hbm:s0], s1  }
0x6c: {  	s0 =	simm.s32 @!p0 $0x5  }
0x6d: {  	_ =	swait.ge @!p0 [sflag:s0], s1  }
0x6e: {  	s1 =	ssub.s32 @!p0 $0x0, s1;
	[sflag:s0] =	ssyncset.done @!p0 $0x0  }
0x6f: {  	[sflag:s0] =	ssyncadd.s32 @!p0 s1  }
0x70: {  	[bflag:$0x3] =	sbarrier.arrive $0xFFFF  }
0x71: {  	_ =	shalt  }

</sc_bundles>
